<compile_context>
chip_gen: v7x
topology: tpu7x:2x2x1
jax: 0.10.2.dev20260603
libtpu: 0.0.44.dev20260713+nightly
codegen_flags: <defaults>
</compile_context>

<pallas_src>
import functools
import jax
import jax.numpy as jnp
from jax import lax
from jax.experimental import pallas as pl
from jax.experimental.pallas import tpu as pltpu
from jax.experimental.pallas import tpu_sc as plsc

N_, E_, DIN_, H_ = 10000, 160000, 256, 512
BN = 2000
NB = N_ // BN
NCHUNK, FC = 4, 128
FCH = FC // 2

f32 = jnp.float32
i32 = jnp.int32

NPAD = 10112
SLAB = NPAD // 16
HSLAB = SLAB // 2
GW = 128
EPAD = 163840
ROWS_E = EPAD // GW
RPT_AGG = ROWS_E // 16
RPT_DEG = ROWS_E // 32

_sc_mesh = plsc.VectorSubcoreMesh(core_axis_name="c", subcore_axis_name="s",
                                  num_cores=2, num_subcores=16)



def _pack_hp(lo, hi):
    lob = jax.lax.bitcast_convert_type(lo, i32)
    hib = jax.lax.bitcast_convert_type(hi, i32)
    lo16 = jnp.bitwise_and(jnp.right_shift(lob + 0x8000, 16), 0xFFFF)
    hi16 = jnp.bitwise_and(hib + 0x8000, jnp.int32(-65536))
    return jnp.bitwise_or(hi16, lo16)


def _emit_hp4(hp4_ref, hp):
    for cc in range(2):
        blk = hp[:, cc * 2 * FC:(cc + 1) * 2 * FC]
        packed = _pack_hp(blk[:, :FC], blk[:, FC:])
        hp4_ref[cc] = jax.lax.bitcast_convert_type(packed, f32)

def _input_body(deg_ref, x_ref, win_ref, bin_ref, h_ref, hp4_ref, r_ref):
    d = deg_ref[...]
    dsum = jnp.maximum(d[:, 0] + d[:, 1], 1e-12)
    r = jax.lax.rsqrt(dsum)
    h = jnp.dot(x_ref[...], win_ref[...], preferred_element_type=f32)
    h = h + bin_ref[...]
    h_ref[...] = h
    r_ref[...] = r[:, None]
    _emit_hp4(hp4_ref, h * r[:, None])


@jax.jit
def _input_call(deg2, x, W_in, b_in2):
    return pl.pallas_call(
        _input_body,
        grid=(NB,),
        in_specs=[
            pl.BlockSpec((BN, 2), lambda i: (i, 0)),
            pl.BlockSpec((BN, DIN_), lambda i: (i, 0)),
            pl.BlockSpec((DIN_, H_), lambda i: (0, 0)),
            pl.BlockSpec((1, H_), lambda i: (0, 0)),
        ],
        out_specs=[
            pl.BlockSpec((BN, H_), lambda i: (i, 0)),
            pl.BlockSpec((2, BN, FC), lambda i: (0, i, 0)),
            pl.BlockSpec((BN, 1), lambda i: (i, 0)),
        ],
        out_shape=[
            jax.ShapeDtypeStruct((N_, H_), f32),
            jax.ShapeDtypeStruct((2, N_, FC), f32),
            jax.ShapeDtypeStruct((N_, 1), f32),
        ],
    )(deg2, x, W_in, b_in2)


def _s1_body(s4_ref, r_ref, h_ref, wrel4_ref, wroot_ref, brel_ref,
             p_ref, stats_ref):
    r = r_ref[...]
    acc = jnp.dot(h_ref[...], wroot_ref[...], preferred_element_type=f32)
    for k in range(NCHUNK):
        acc = acc + jnp.dot(s4_ref[k] * r, wrel4_ref[k],
                            preferred_element_type=f32)
    p = acc + brel_ref[...]
    p_ref[...] = p

    @pl.when(pl.program_id(0) == 0)
    def _():
        stats_ref[...] = jnp.zeros_like(stats_ref)

    stats_ref[0, :] += jnp.sum(p, axis=0)
    stats_ref[1, :] += jnp.sum(p * p, axis=0)


@jax.jit
def _s1_call(s4, r, h, wrel4, wroot, brel2):
    return pl.pallas_call(
        _s1_body,
        grid=(NB,),
        in_specs=[
            pl.BlockSpec((NCHUNK, BN, FC), lambda i: (0, i, 0)),
            pl.BlockSpec((BN, 1), lambda i: (i, 0)),
            pl.BlockSpec((BN, H_), lambda i: (i, 0)),
            pl.BlockSpec((NCHUNK, FC, H_), lambda i: (0, 0, 0)),
            pl.BlockSpec((H_, H_), lambda i: (0, 0)),
            pl.BlockSpec((1, H_), lambda i: (0, 0)),
        ],
        out_specs=[
            pl.BlockSpec((BN, H_), lambda i: (i, 0)),
            pl.BlockSpec((2, H_), lambda i: (0, 0)),
        ],
        out_shape=[
            jax.ShapeDtypeStruct((N_, H_), f32),
            jax.ShapeDtypeStruct((2, H_), f32),
        ],
    )(s4, r, h, wrel4, wroot, brel2)


def _s2_body_emit(p_ref, h_ref, r_ref, stats_ref, gamma_ref, beta_ref,
                  out_ref, hp4_ref):
    stats = stats_ref[...]
    mean = stats[0] / N_
    var = stats[1] / N_ - mean * mean
    inv = jax.lax.rsqrt(var + 1e-5)
    p = p_ref[...]
    hn = gamma_ref[...] * ((p - mean) * inv) + beta_ref[...]
    hn = jnp.maximum(hn, 0.0) + h_ref[...]
    out_ref[...] = hn
    _emit_hp4(hp4_ref, hn * r_ref[...])


def _s2_body_last(p_ref, h_ref, r_ref, stats_ref, gamma_ref, beta_ref,
                  out_ref):
    stats = stats_ref[...]
    mean = stats[0] / N_
    var = stats[1] / N_ - mean * mean
    inv = jax.lax.rsqrt(var + 1e-5)
    p = p_ref[...]
    hn = gamma_ref[...] * ((p - mean) * inv) + beta_ref[...]
    hn = jnp.maximum(hn, 0.0) + h_ref[...]
    out_ref[...] = hn


@functools.partial(jax.jit, static_argnums=0)
def _s2_call(emit_hp, p, h, r, stats, gamma2, beta2):
    out_specs = [pl.BlockSpec((BN, H_), lambda i: (i, 0))]
    out_shape = [jax.ShapeDtypeStruct((N_, H_), f32)]
    if emit_hp:
        out_specs.append(pl.BlockSpec((2, BN, FC), lambda i: (0, i, 0)))
        out_shape.append(jax.ShapeDtypeStruct((2, N_, FC), f32))
    body = _s2_body_emit if emit_hp else _s2_body_last
    return pl.pallas_call(
        body,
        grid=(NB,),
        in_specs=[
            pl.BlockSpec((BN, H_), lambda i: (i, 0)),
            pl.BlockSpec((BN, H_), lambda i: (i, 0)),
            pl.BlockSpec((BN, 1), lambda i: (i, 0)),
            pl.BlockSpec((2, H_), lambda i: (0, 0)),
            pl.BlockSpec((1, H_), lambda i: (0, 0)),
            pl.BlockSpec((1, H_), lambda i: (0, 0)),
        ],
        out_specs=out_specs,
        out_shape=out_shape,
    )(p, h, r, stats, gamma2, beta2)



def _deg_body(dst_hbm, w_hbm, z_hbm, out_hbm, acc_sh, dst_v, w_v, buf_v):
    c = lax.axis_index("c")
    s = lax.axis_index("s")
    tid = c * 16 + s
    my = pl.ds(s * SLAB, SLAB)
    pltpu.sync_copy(z_hbm, buf_v)
    pltpu.sync_copy(buf_v, acc_sh.at[my])
    plsc.subcore_barrier()
    pltpu.sync_copy(dst_hbm.at[pl.ds(tid * RPT_DEG, RPT_DEG)], dst_v)
    pltpu.sync_copy(w_hbm.at[pl.ds(tid * RPT_DEG, RPT_DEG)], w_v)

    def gbody(j, _):
        pltpu.sync_copy(w_v.at[j], acc_sh.at[dst_v.at[j]], add=True)
        return 0

    lax.fori_loop(0, RPT_DEG, gbody, 0)
    plsc.subcore_barrier()
    pltpu.sync_copy(acc_sh.at[my], buf_v)
    pltpu.sync_copy(buf_v, out_hbm.at[pl.ds(c * NPAD + s * SLAB, SLAB)])


@jax.jit
def _sc_deg_call(dst2d, w2d, zvec):
    return pl.kernel(
        _deg_body,
        out_type=jax.ShapeDtypeStruct((2 * NPAD,), f32),
        mesh=_sc_mesh,
        scratch_types=[
            pltpu.VMEM_SHARED((NPAD,), f32),
            pltpu.VMEM((RPT_DEG, GW), i32),
            pltpu.VMEM((RPT_DEG, GW), f32),
            pltpu.VMEM((SLAB,), f32),
        ],
    )(dst2d, w2d, zvec)


HGW = GW // 2
ROWS64 = EPAD // HGW
GPT = ROWS_E // 16
HRPT = 16


def _scale_half(rows_v, bufa_v, w_v, jl, half):

    def ebody(q, _):
        w16 = w_v[jl, pl.ds(half * HGW + q * 16, 16)]
        for lane in range(16):
            wv = jnp.full((16,), w16[lane], f32)
            e = half * HGW + q * 16 + lane
            eb = q * 16 + lane
            for k in range(FC // 16):
                sl = pl.ds(k * 16, 16)
                wrd = jax.lax.bitcast_convert_type(rows_v[e, sl], i32)
                lo = jax.lax.bitcast_convert_type(
                    jnp.left_shift(wrd, 16), f32)
                hi = jax.lax.bitcast_convert_type(
                    jnp.bitwise_and(wrd, jnp.int32(-65536)), f32)
                bufa_v[eb, sl] = lo * wv
                rows_v[e, sl] = hi * wv
        return 0

    lax.fori_loop(0, HGW // 16, ebody, 0)


_PIECES = [(i * HGW, HGW) for i in range(SLAB // HGW)]
if SLAB % HGW:
    _PIECES.append(((SLAB // HGW) * HGW, SLAB % HGW))


def _zero_acc(acc_sh, bufa_v, z_hbm, s):
    pltpu.sync_copy(z_hbm, bufa_v)
    for off, n in _PIECES:
        pltpu.sync_copy(bufa_v.at[pl.ds(0, n)],
                        acc_sh.at[pl.ds(s * SLAB + off, n)])


def _copy_out(acc_sh, bufa_v, out_hbm, chunk, s):
    for off, n in _PIECES:
        sl = pl.ds(s * SLAB + off, n)
        pltpu.sync_copy(acc_sh.at[sl], bufa_v.at[pl.ds(0, n)])
        pltpu.sync_copy(bufa_v.at[pl.ds(0, n)], out_hbm.at[chunk, sl])


def _agg_body(hp2_hbm, src_hbm, dst_hbm, w_hbm, z_hbm, out_hbm, msg_hbm,
              acc_sh, src_v, dst_v, w_v, rows_a, rows_b, bufa_v,
              gsa, gsb, msa, msb):
    c = lax.axis_index("c")
    s = lax.axis_index("s")
    row0 = s * GPT
    hp2c = hp2_hbm.at[c]
    msgc = msg_hbm.at[c]

    _zero_acc(acc_sh, bufa_v, z_hbm, s)
    plsc.subcore_barrier()
    for hb in range(GPT // HRPT):
        r0 = row0 + hb * HRPT
        d0 = 2 * row0 + hb * (2 * HRPT)
        pltpu.sync_copy(src_hbm.at[pl.ds(r0, HRPT)], src_v)
        pltpu.sync_copy(dst_hbm.at[pl.ds(d0, 2 * HRPT)], dst_v)
        pltpu.sync_copy(w_hbm.at[pl.ds(r0, HRPT)], w_v)
        pltpu.make_async_copy(hp2c.at[src_v.at[0]], rows_a, gsa).start()

        def p1_group(jl, rows_v, gsem, msem):
            pltpu.make_async_copy(hp2c.at[src_v.at[jl]], rows_v, gsem).wait()
            for half in range(2):
                _scale_half(rows_v, bufa_v, w_v, jl, half)
                pltpu.sync_copy(bufa_v, acc_sh.at[dst_v.at[2 * jl + half]],
                                add=True)
            pltpu.async_copy(rows_v, msgc.at[pl.ds((r0 + jl) * GW, GW)], msem)

        def lbody(j2, _):
            j = 2 * j2
            pltpu.make_async_copy(hp2c.at[src_v.at[j + 1]], rows_b,
                                  gsb).start()
            p1_group(j, rows_a, gsa, msa)

            @pl.when(j2 < HRPT // 2 - 1)
            def _():
                pltpu.make_async_copy(
                    rows_a, msgc.at[pl.ds((r0 + j) * GW, GW)], msa).wait()
                pltpu.make_async_copy(hp2c.at[src_v.at[j + 2]], rows_a,
                                      gsa).start()

            p1_group(j + 1, rows_b, gsb, msb)

            @pl.when(j2 < HRPT // 2 - 1)
            def _():
                pltpu.make_async_copy(
                    rows_b, msgc.at[pl.ds((r0 + j + 1) * GW, GW)], msb).wait()

            return 0

        lax.fori_loop(0, HRPT // 2, lbody, 0)
        pltpu.make_async_copy(
            rows_a, msgc.at[pl.ds((r0 + HRPT - 2) * GW, GW)], msa).wait()
        pltpu.make_async_copy(
            rows_b, msgc.at[pl.ds((r0 + HRPT - 1) * GW, GW)], msb).wait()
    plsc.subcore_barrier()
    _copy_out(acc_sh, bufa_v, out_hbm, 2 * c, s)
    plsc.subcore_barrier()

    _zero_acc(acc_sh, bufa_v, z_hbm, s)
    plsc.subcore_barrier()
    for hb in range(GPT // HRPT):
        r0 = row0 + hb * HRPT
        d0 = 2 * row0 + hb * (2 * HRPT)
        pltpu.sync_copy(dst_hbm.at[pl.ds(d0, 2 * HRPT)], dst_v)
        pltpu.make_async_copy(msgc.at[pl.ds(r0 * GW, GW)], rows_a,
                              gsa).start()

        def p2_group(jl, rows_v, gsem):
            pltpu.make_async_copy(msgc.at[pl.ds((r0 + jl) * GW, GW)],
                                  rows_v, gsem).wait()
            for half in range(2):
                pltpu.sync_copy(rows_v.at[pl.ds(half * HGW, HGW)],
                                acc_sh.at[dst_v.at[2 * jl + half]], add=True)

        def lbody2(j2, _):
            j = 2 * j2
            pltpu.make_async_copy(msgc.at[pl.ds((r0 + j + 1) * GW, GW)],
                                  rows_b, gsb).start()
            p2_group(j, rows_a, gsa)

            @pl.when(j2 < HRPT // 2 - 1)
            def _():
                pltpu.make_async_copy(msgc.at[pl.ds((r0 + j + 2) * GW, GW)],
                                      rows_a, gsa).start()

            p2_group(j + 1, rows_b, gsb)
            return 0

        lax.fori_loop(0, HRPT // 2, lbody2, 0)
    plsc.subcore_barrier()
    _copy_out(acc_sh, bufa_v, out_hbm, 2 * c + 1, s)
    plsc.subcore_barrier()


@jax.jit
def _sc_agg_call(hp2, src2d, dst64, w2d, z64):
    return pl.kernel(
        _agg_body,
        out_type=[
            jax.ShapeDtypeStruct((NCHUNK, NPAD, FC), f32),
            jax.ShapeDtypeStruct((2, EPAD, FC), f32),
        ],
        mesh=_sc_mesh,
        scratch_types=[
            pltpu.VMEM_SHARED((NPAD, FC), f32),
            pltpu.VMEM((HRPT, GW), i32),
            pltpu.VMEM((2 * HRPT, HGW), i32),
            pltpu.VMEM((HRPT, GW), f32),
            pltpu.VMEM((GW, FC), f32),
            pltpu.VMEM((GW, FC), f32),
            pltpu.VMEM((HGW, FC), f32),
            pltpu.SemaphoreType.DMA,
            pltpu.SemaphoreType.DMA,
            pltpu.SemaphoreType.DMA,
            pltpu.SemaphoreType.DMA,
        ],
    )(hp2, src2d, dst64, w2d, z64)



def kernel(x, edge_index, edge_attr, W_in, b_in, W_rel, b_rel, W_root,
           gamma, beta):
    w = edge_attr.reshape(-1)
    src = edge_index[0]
    dst = edge_index[1]

    pad = EPAD - E_
    src2d = jnp.concatenate([src, jnp.zeros((pad,), i32)]).reshape(ROWS_E, GW)
    dst2d = jnp.concatenate([dst, jnp.zeros((pad,), i32)]).reshape(ROWS_E, GW)
    w2d = jnp.concatenate([w, jnp.zeros((pad,), f32)]).reshape(ROWS_E, GW)
    dst64 = dst2d.reshape(ROWS64, HGW)
    zvec = jnp.zeros((SLAB,), f32)
    z64 = jnp.zeros((HGW, FC), f32)

    deg2 = _sc_deg_call(dst2d, w2d, zvec).reshape(2, NPAD)
    h, hp4, r = _input_call(deg2.T, x, W_in, b_in.reshape(1, H_))

    L = W_rel.shape[0]
    for i in range(L):
        s4, _msg = _sc_agg_call(hp4, src2d, dst64, w2d, z64)
        wrel4 = W_rel[i].reshape(NCHUNK, FC, H_)
        p, stats = _s1_call(s4, r, h, wrel4, W_root[i], b_rel[i].reshape(1, H_))
        emit = i < L - 1
        res = _s2_call(emit, p, h, r, stats, gamma[i].reshape(1, H_),
                       beta[i].reshape(1, H_))
        if emit:
            h, hp4 = res
        else:
            h = res[0]
    return h

# --- scband reference (transcript-rebuilt; emitter-appended) ---
"""Pipeline reference for scband-frag-gnn-24378234372308 (READ-ONLY COPY).

The authoritative reference and input builder live on the scoring server;
editing this copy changes nothing except your own understanding.
"""

import jax, jax.numpy as jnp
import numpy as np

N, E, D_IN, H, L = 10000, 160000, 256, 512, 3

def setup_inputs(seed: int = 0) -> dict:
    key = jax.random.key(seed)
    ks = jax.random.split(key, 8)
    x = jax.random.normal(ks[0], (N, D_IN), dtype=jnp.float32)
    edge_index = jax.random.randint(ks[1], (2, E), 0, N, dtype=jnp.int32)
    edge_attr = jax.random.uniform(ks[2], (E, 1), dtype=jnp.float32)
    W_in = jax.random.normal(ks[3], (D_IN, H), dtype=jnp.float32) * (1.0 / np.sqrt(D_IN))
    b_in = jnp.zeros((H,), dtype=jnp.float32)
    W_rel = jax.random.normal(ks[4], (L, H, H), dtype=jnp.float32) * (1.0 / np.sqrt(H))
    b_rel = jnp.zeros((L, H), dtype=jnp.float32)
    W_root = jax.random.normal(ks[5], (L, H, H), dtype=jnp.float32) * (1.0 / np.sqrt(H))
    gamma = jnp.ones((L, H), dtype=jnp.float32)
    beta = jnp.zeros((L, H), dtype=jnp.float32)
    return {"x": x, "edge_index": edge_index, "edge_attr": edge_attr,
            "W_in": W_in, "b_in": b_in, "W_rel": W_rel, "b_rel": b_rel,
            "W_root": W_root, "gamma": gamma, "beta": beta}

def reference(x, edge_index, edge_attr, W_in, b_in, W_rel, b_rel, W_root, gamma, beta):
    n = x.shape[0]
    h = x @ W_in + b_in
    # edge_attr is [E,1] -> edge_weight [E]
    w = edge_attr.reshape(-1)
    src = edge_index[0]
    dst = edge_index[1]
    # normalize=True: symmetric degree normalization of edge weights (GCN-style)
    deg = jax.ops.segment_sum(w, dst, num_segments=n)
    deg = jnp.clip(deg, 1e-12)
    norm = w / jnp.sqrt(jnp.clip(deg[src], 1e-12) * deg[dst])
    num_layers = W_rel.shape[0]
    for i in range(num_layers):
        h_res = h
        # GraphConv: out = W_root h_i + W_rel * sum_{j in N(i)} w_ij h_j
        msg = h[src] * norm[:, None]
        agg = jax.ops.segment_sum(msg, dst, num_segments=n)
        h = agg @ W_rel[i] + b_rel[i] + h @ W_root[i]
        # BatchNorm1d (training-mode batch statistics)
        mean = jnp.mean(h, axis=0)
        var = jnp.var(h, axis=0)
        h = gamma[i] * (h - mean) / jnp.sqrt(var + 1e-5) + beta[i]
        h = jax.nn.relu(h)
        # dropout is identity in eval/reference mode
        h = h + h_res
    return h

if __name__ == "__main__":
    import jax
    _d = setup_inputs()
    print(jax.jit(kernel)(*tuple(_d.values())))

</pallas_src>

<mosaic_0001>
#map = affine_map<(d0, d1) -> (0, 0)>
#map1 = affine_map<(d0, d1) -> (0)>
module attributes {stable_mosaic.version = 14 : i64} {
  func.func @_deg_body(%arg0: i32, %arg1: i32, %arg2: memref<1280x128xi32, #tpu.memory_space<hbm>>, %arg3: memref<1280x128xf32, #tpu.memory_space<hbm>>, %arg4: memref<632xf32, #tpu.memory_space<hbm>>, %arg5: memref<20224xf32, #tpu.memory_space<hbm>>, %arg6: memref<10112xf32, #tpu.memory_space<vmem_shared>>, %arg7: memref<40x128xi32, #tpu.memory_space<vmem>>, %arg8: memref<40x128xf32, #tpu.memory_space<vmem>>, %arg9: memref<632xf32, #tpu.memory_space<vmem>>) attributes {dimension_semantics = [#tpu.dimension_semantics<core_parallel>, #tpu.dimension_semantics<subcore_parallel>], iteration_bounds = array<i64: 2, 16>, scalar_prefetch = 0 : i64, scratch_operands = 4 : i64, tpu.core_type = #tpu.core_type<sc_vector_subcore>, window_params = [{transform_indices = #map}, {transform_indices = #map}, {transform_indices = #map1}, {transform_indices = #map1}]} {
    %mul3A = arith.constant 16 : i32
    %mul3A_0 = arith.muli %arg0, %mul3A : i32
    %add3A = arith.addi %mul3A_0, %arg1 : i32
    %mul3A_1 = arith.constant 632 : i32
    %mul3A_2 = arith.muli %arg1, %mul3A_1 : i32
    "tpu.region"() ({
      %run_scoped3A = tpu.sem_alloc : memref<!tpu.dma_semaphore, #tpu.memory_space<semaphore_mem>>
      tpu.enqueue_dma source(%arg4 : memref<632xf32, #tpu.memory_space<hbm>>) target(%arg9 : memref<632xf32, #tpu.memory_space<vmem>>) target_semaphore(%run_scoped3A : memref<!tpu.dma_semaphore, #tpu.memory_space<semaphore_mem>>)
      tpu.wait_dma2 semaphore(%run_scoped3A : memref<!tpu.dma_semaphore, #tpu.memory_space<semaphore_mem>>) src(%arg4 : memref<632xf32, #tpu.memory_space<hbm>>) dst(%arg9 : memref<632xf32, #tpu.memory_space<vmem>>)
      tpu.yield
    }) : () -> ()
    "tpu.region"() ({
      %run_scoped3A = tpu.sem_alloc : memref<!tpu.dma_semaphore, #tpu.memory_space<semaphore_mem>>
      %dma_start3A = tpu.memref_slice %arg6[%mul3A_2] : memref<10112xf32, #tpu.memory_space<vmem_shared>> -> memref<632xf32, #tpu.memory_space<vmem_shared>>
      %dma_start3A_19 = tpu.memref_slice %arg6[%mul3A_2] : memref<10112xf32, #tpu.memory_space<vmem_shared>> -> memref<632xf32, #tpu.memory_space<vmem_shared>>
      tpu.enqueue_dma source(%arg9 : memref<632xf32, #tpu.memory_space<vmem>>) target(%dma_start3A_19 : memref<632xf32, #tpu.memory_space<vmem_shared>>) target_semaphore(%run_scoped3A : memref<!tpu.dma_semaphore, #tpu.memory_space<semaphore_mem>>)
      %dma_wait3A = tpu.memref_slice %arg6[%mul3A_2] : memref<10112xf32, #tpu.memory_space<vmem_shared>> -> memref<632xf32, #tpu.memory_space<vmem_shared>>
      %dma_wait3A_20 = tpu.memref_slice %arg6[%mul3A_2] : memref<10112xf32, #tpu.memory_space<vmem_shared>> -> memref<632xf32, #tpu.memory_space<vmem_shared>>
      tpu.wait_dma2 semaphore(%run_scoped3A : memref<!tpu.dma_semaphore, #tpu.memory_space<semaphore_mem>>) src(%arg9 : memref<632xf32, #tpu.memory_space<vmem>>) dst(%dma_wait3A_20 : memref<632xf32, #tpu.memory_space<vmem_shared>>)
      tpu.yield
    }) : () -> ()
    %barrier3A = arith.constant 0 : index
    tpu.barrier barrier_id(%barrier3A)
    %mul3A_3 = arith.constant 40 : i32
    %mul3A_4 = arith.muli %add3A, %mul3A_3 : i32
    "tpu.region"() ({
      %run_scoped3A = tpu.sem_alloc : memref<!tpu.dma_semaphore, #tpu.memory_space<semaphore_mem>>
      %dma_start3A = arith.constant 0 : i32
      %dma_start3A_19 = tpu.memref_slice %arg2[%mul3A_4, %dma_start3A] : memref<1280x128xi32, #tpu.memory_space<hbm>> -> memref<40x128xi32, #tpu.memory_space<hbm>>
      %dma_start3A_20 = arith.constant 0 : i32
      %dma_start3A_21 = tpu.memref_slice %arg2[%mul3A_4, %dma_start3A_20] : memref<1280x128xi32, #tpu.memory_space<hbm>> -> memref<40x128xi32, #tpu.memory_space<hbm>>
      tpu.enqueue_dma source(%dma_start3A_21 : memref<40x128xi32, #tpu.memory_space<hbm>>) target(%arg7 : memref<40x128xi32, #tpu.memory_space<vmem>>) target_semaphore(%run_scoped3A : memref<!tpu.dma_semaphore, #tpu.memory_space<semaphore_mem>>)
      %dma_wait3A = arith.constant 0 : i32
      %dma_wait3A_22 = tpu.memref_slice %arg2[%mul3A_4, %dma_wait3A] : memref<1280x128xi32, #tpu.memory_space<hbm>> -> memref<40x128xi32, #tpu.memory_space<hbm>>
      %dma_wait3A_23 = arith.constant 0 : i32
      %dma_wait3A_24 = tpu.memref_slice %arg2[%mul3A_4, %dma_wait3A_23] : memref<1280x128xi32, #tpu.memory_space<hbm>> -> memref<40x128xi32, #tpu.memory_space<hbm>>
      tpu.wait_dma2 semaphore(%run_scoped3A : memref<!tpu.dma_semaphore, #tpu.memory_space<semaphore_mem>>) src(%dma_wait3A_24 : memref<40x128xi32, #tpu.memory_space<hbm>>) dst(%arg7 : memref<40x128xi32, #tpu.memory_space<vmem>>)
      tpu.yield
    }) : () -> ()
    %mul3A_5 = arith.constant 40 : i32
    %mul3A_6 = arith.muli %add3A, %mul3A_5 : i32
    "tpu.region"() ({
      %run_scoped3A = tpu.sem_alloc : memref<!tpu.dma_semaphore, #tpu.memory_space<semaphore_mem>>
      %dma_start3A = arith.constant 0 : i32
      %dma_start3A_19 = tpu.memref_slice %arg3[%mul3A_6, %dma_start3A] : memref<1280x128xf32, #tpu.memory_space<hbm>> -> memref<40x128xf32, #tpu.memory_space<hbm>>
      %dma_start3A_20 = arith.constant 0 : i32
      %dma_start3A_21 = tpu.memref_slice %arg3[%mul3A_6, %dma_start3A_20] : memref<1280x128xf32, #tpu.memory_space<hbm>> -> memref<40x128xf32, #tpu.memory_space<hbm>>
      tpu.enqueue_dma source(%dma_start3A_21 : memref<40x128xf32, #tpu.memory_space<hbm>>) target(%arg8 : memref<40x128xf32, #tpu.memory_space<vmem>>) target_semaphore(%run_scoped3A : memref<!tpu.dma_semaphore, #tpu.memory_space<semaphore_mem>>)
      %dma_wait3A = arith.constant 0 : i32
      %dma_wait3A_22 = tpu.memref_slice %arg3[%mul3A_6, %dma_wait3A] : memref<1280x128xf32, #tpu.memory_space<hbm>> -> memref<40x128xf32, #tpu.memory_space<hbm>>
      %dma_wait3A_23 = arith.constant 0 : i32
      %dma_wait3A_24 = tpu.memref_slice %arg3[%mul3A_6, %dma_wait3A_23] : memref<1280x128xf32, #tpu.memory_space<hbm>> -> memref<40x128xf32, #tpu.memory_space<hbm>>
      tpu.wait_dma2 semaphore(%run_scoped3A : memref<!tpu.dma_semaphore, #tpu.memory_space<semaphore_mem>>) src(%dma_wait3A_24 : memref<40x128xf32, #tpu.memory_space<hbm>>) dst(%arg8 : memref<40x128xf32, #tpu.memory_space<vmem>>)
      tpu.yield
    }) : () -> ()
    %scan3A = arith.constant 0 : i32
    %scan3A_7 = arith.constant 0 : i32
    %scan3A_8 = arith.constant 40 : i32
    %scan3A_9 = arith.addi %scan3A_7, %scan3A_8 : i32
    %scan3A_10 = arith.constant 1 : i32
    %scan3A_11 = scf.for %scan3A_19 = %scan3A_7 to %scan3A_9 step %scan3A_10 iter_args(%scan3A_20 = %scan3A) -> (i32)  : i32 {
      "tpu.region"() ({
        %run_scoped3A = tpu.sem_alloc : memref<!tpu.dma_semaphore, #tpu.memory_space<semaphore_mem>>
        %dma_start3A = arith.constant 0 : i32
        %dma_start3A_22 = tpu.memref_slice %arg8[%scan3A_19, %dma_start3A] : memref<40x128xf32, #tpu.memory_space<vmem>> -> memref<1x128xf32, #tpu.memory_space<vmem>>
        %dma_start3A_23 = tpu.memref_squeeze %dma_start3A_22 : memref<1x128xf32, #tpu.memory_space<vmem>> -> memref<128xf32, #tpu.memory_space<vmem>>
        %dma_start3A_24 = arith.constant 0 : i32
        %dma_start3A_25 = tpu.memref_slice %arg7[%scan3A_19, %dma_start3A_24] : memref<40x128xi32, #tpu.memory_space<vmem>> -> memref<1x128xi32, #tpu.memory_space<vmem>>
        %dma_start3A_26 = tpu.memref_squeeze %dma_start3A_25 : memref<1x128xi32, #tpu.memory_space<vmem>> -> memref<128xi32, #tpu.memory_space<vmem>>
        %dma_start3A_27 = arith.constant 0 : i32
        %dma_start3A_28 = tpu.memref_slice %arg6[%dma_start3A_27] : memref<10112xf32, #tpu.memory_space<vmem_shared>> -> memref<10112xf32, #tpu.memory_space<vmem_shared>>
        tpu.enqueue_indirect_dma source(%dma_start3A_23 : memref<128xf32, #tpu.memory_space<vmem>>) target(%dma_start3A_28 : memref<10112xf32, #tpu.memory_space<vmem_shared>>) offsets(%dma_start3A_26 : memref<128xi32, #tpu.memory_space<vmem>>) semaphore(%run_scoped3A : memref<!tpu.dma_semaphore, #tpu.memory_space<semaphore_mem>>) {add = true}
        %dma_wait3A = arith.constant 0 : i32
        %dma_wait3A_29 = tpu.memref_slice %arg8[%scan3A_19, %dma_wait3A] : memref<40x128xf32, #tpu.memory_space<vmem>> -> memref<1x128xf32, #tpu.memory_space<vmem>>
        %dma_wait3A_30 = tpu.memref_squeeze %dma_wait3A_29 : memref<1x128xf32, #tpu.memory_space<vmem>> -> memref<128xf32, #tpu.memory_space<vmem>>
        %dma_wait3A_31 = arith.constant 0 : i32
        %dma_wait3A_32 = tpu.memref_slice %arg7[%scan3A_19, %dma_wait3A_31] : memref<40x128xi32, #tpu.memory_space<vmem>> -> memref<1x128xi32, #tpu.memory_space<vmem>>
        %dma_wait3A_33 = tpu.memref_squeeze %dma_wait3A_32 : memref<1x128xi32, #tpu.memory_space<vmem>> -> memref<128xi32, #tpu.memory_space<vmem>>
        %dma_wait3A_34 = arith.constant 0 : i32
        %dma_wait3A_35 = tpu.memref_slice %arg6[%dma_wait3A_34] : memref<10112xf32, #tpu.memory_space<vmem_shared>> -> memref<10112xf32, #tpu.memory_space<vmem_shared>>
        tpu.wait_indirect_dma semaphore(%run_scoped3A : memref<!tpu.dma_semaphore, #tpu.memory_space<semaphore_mem>>) src(%dma_wait3A_30 : memref<128xf32, #tpu.memory_space<vmem>>) dst(%dma_wait3A_35 : memref<10112xf32, #tpu.memory_space<vmem_shared>>)
        tpu.yield
      }) : () -> ()
      %scan3A_21 = arith.constant 0 : i32
      scf.yield %scan3A_21 : i32
    }
    %scan3A_12 = arith.constant 40 : i32
    %barrier3A_13 = arith.constant 0 : index
    tpu.barrier barrier_id(%barrier3A_13)
    "tpu.region"() ({
      %run_scoped3A = tpu.sem_alloc : memref<!tpu.dma_semaphore, #tpu.memory_space<semaphore_mem>>
      %dma_start3A = tpu.memref_slice %arg6[%mul3A_2] : memref<10112xf32, #tpu.memory_space<vmem_shared>> -> memref<632xf32, #tpu.memory_space<vmem_shared>>
      %dma_start3A_19 = tpu.memref_slice %arg6[%mul3A_2] : memref<10112xf32, #tpu.memory_space<vmem_shared>> -> memref<632xf32, #tpu.memory_space<vmem_shared>>
      tpu.enqueue_dma source(%dma_start3A_19 : memref<632xf32, #tpu.memory_space<vmem_shared>>) target(%arg9 : memref<632xf32, #tpu.memory_space<vmem>>) target_semaphore(%run_scoped3A : memref<!tpu.dma_semaphore, #tpu.memory_space<semaphore_mem>>)
      %dma_wait3A = tpu.memref_slice %arg6[%mul3A_2] : memref<10112xf32, #tpu.memory_space<vmem_shared>> -> memref<632xf32, #tpu.memory_space<vmem_shared>>
      %dma_wait3A_20 = tpu.memref_slice %arg6[%mul3A_2] : memref<10112xf32, #tpu.memory_space<vmem_shared>> -> memref<632xf32, #tpu.memory_space<vmem_shared>>
      tpu.wait_dma2 semaphore(%run_scoped3A : memref<!tpu.dma_semaphore, #tpu.memory_space<semaphore_mem>>) src(%dma_wait3A_20 : memref<632xf32, #tpu.memory_space<vmem_shared>>) dst(%arg9 : memref<632xf32, #tpu.memory_space<vmem>>)
      tpu.yield
    }) : () -> ()
    %mul3A_14 = arith.constant 10112 : i32
    %mul3A_15 = arith.muli %arg0, %mul3A_14 : i32
    %mul3A_16 = arith.constant 632 : i32
    %mul3A_17 = arith.muli %arg1, %mul3A_16 : i32
    %add3A_18 = arith.addi %mul3A_15, %mul3A_17 : i32
    "tpu.region"() ({
      %run_scoped3A = tpu.sem_alloc : memref<!tpu.dma_semaphore, #tpu.memory_space<semaphore_mem>>
      %dma_start3A = tpu.memref_slice %arg5[%add3A_18] : memref<20224xf32, #tpu.memory_space<hbm>> -> memref<632xf32, #tpu.memory_space<hbm>>
      %dma_start3A_19 = tpu.memref_slice %arg5[%add3A_18] : memref<20224xf32, #tpu.memory_space<hbm>> -> memref<632xf32, #tpu.memory_space<hbm>>
      tpu.enqueue_dma source(%arg9 : memref<632xf32, #tpu.memory_space<vmem>>) target(%dma_start3A_19 : memref<632xf32, #tpu.memory_space<hbm>>) target_semaphore(%run_scoped3A : memref<!tpu.dma_semaphore, #tpu.memory_space<semaphore_mem>>)
      %dma_wait3A = tpu.memref_slice %arg5[%add3A_18] : memref<20224xf32, #tpu.memory_space<hbm>> -> memref<632xf32, #tpu.memory_space<hbm>>
      %dma_wait3A_20 = tpu.memref_slice %arg5[%add3A_18] : memref<20224xf32, #tpu.memory_space<hbm>> -> memref<632xf32, #tpu.memory_space<hbm>>
      tpu.wait_dma2 semaphore(%run_scoped3A : memref<!tpu.dma_semaphore, #tpu.memory_space<semaphore_mem>>) src(%arg9 : memref<632xf32, #tpu.memory_space<vmem>>) dst(%dma_wait3A_20 : memref<632xf32, #tpu.memory_space<hbm>>)
      tpu.yield
    }) : () -> ()
    return
  }
}

</mosaic_0001>

<sc_bundles>
// kernel: _sc_deg_call.3.cloned.1.call-start
scs
__scs_entry_jumppad:
0x0: {  	(pc) =	sbr.rel $0x88, $3  }
0x1: {  	(tag) =	ssettag $0x0;
	lr =	simm.s32 $0x1  }
0x2: {  	[smem:$0x3F9E] =	sst lr;
	_ =	strace $0xD0000000  }
0x3: {  	_ = 	snop  }
0x4: {  	_ = 	snop  }
0x5: {  	_ = 	snop  }
0x6: {  	_ = 	snop  }
0x7: {  	_ = 	snop  }
__scs_overlays_trampoline_lowered:
0x8: {  	[smem:$0x3FAD] =	sst s0  }
0x9: {  	[smem:$0x3FAE] =	sst s1  }
0xa: {  	[smem:$0x3FAF] =	sst s2  }
0xb: {  	[smem:$0x3FB0] =	sst s3  }
0xc: {  	[smem:$0x3FB1] =	sst s4  }
0xd: {  	[smem:$0x3FB2] =	sst s5  }
0xe: {  	[smem:$0x3FB3] =	sst s6  }
0xf: {  	[smem:$0x3FB4] =	sst s7  }
0x10: {  	[smem:$0x3FB5] =	sst s8  }
0x11: {  	[smem:$0x3FB6] =	sst s9;
	s0 =	simm.s32 @!p0 $0x0  }
0x12: {  	s1 =	sld [smem:$0x3F9C];
	s0 =	simm.s32 @p0 $0x1  }
0x13: {  	[smem:$0x3FB7] =	sst s0;
	s0 =	simm.s32 @!p1 $0x0  }
0x14: {  	s2 =	sld [smem:$0x3F9B];
	s0 =	simm.s32 @p1 $0x1  }
0x15: {  	[smem:$0x3FB8] =	sst s0;
	s0 =	simm.s32 @!p2 $0x0  }
0x16: {  	s3 =	sld [smem:$0x3FDB];
	s0 =	simm.s32 @p2 $0x1  }
0x17: {  	s4 =	simm.s32 $0x1BF5;
	[smem:$0x3FBA] =	sst s0  }
0x18: {  	s0 =	sld [smem:$0x3F9D];
	_ =	swait.ge [sflag:s4], $0x0  }
0x19: {  	s7 =	sld [smem:$0x3F9E]  }
0x1a: {  	s8 =	sadd.s32 $0xFFFFE003, lr  }
0x1b: {  	s9 =	sadd.s32 $0xFFFFFEF7, lr;
	s5 =	simm.s32 $0xFFFFFFFF;
	p2 =	slt.u32 s8, $0xFFFFF086  }
0x1c: {  	p1 =	slt.u32 s9, $0xF7A;
	s5 =	simm.s32 @!p2 $0x0  }
0x1d: {  	s5 =	simm.s32 @p1 $0x1;
	p0 =	seq.s32 s7, s2  }
0x1e: {  	s7 =	smul.u32 @!p0 $0xF7A, s2;
	p2 =	seq.s32 @!p0 s5, $0x0  }
0x1f: {  	s9 =	smul.u32 $0xF7A, s1;
	s8 =	simm.s32 @!p0 $0x1BF5;
	p2 =	por !p2, p0  }
0x20: {  	[sflag:s8] =	ssyncset.s32 @!p0 $0xFFFFF086;
	s6 =	sadd.s32 @!p0 s3, s7;
	s7 =	simm.s32 @!p0 $0x108  }
0x21: {  	s3 =	sadd.s32 s3, s9;
	s6 =	sadd.s32 @!p0 $0x88, s6;
	s7 =	simm.s32 @p2 $0x1082  }
0x22: {  	[simem:s7], [sflag:s8] =	dma.local @!p0 [hbm:s6], $0xF7A  }
0x23: {  	s9 =	sor.u32 $0xD0000000, s2;
	s6 =	simm.s32 $0x108;
	_ =	swait.ge @!p0 [sflag:s8], $0x0  }
0x24: {  	s3 =	sadd.s32 $0x88, s3;
	s6 =	simm.s32 @!p1 $0x1082;
	[sflag:s4] =	ssyncset.s32 $0xFFFFF086  }
0x25: {  	[simem:s6], [sflag:s4] =	dma.local [hbm:s3], $0xF7A  }
0x26: {  	[smem:$0x3F9E] =	sst s1;
	(tag) =	ssettag s2;
	_ =	strace s9  }
0x27: {  	s1 =	sld [smem:$0x3FAE]  }
0x28: {  	s2 =	sld [smem:$0x3FAF]  }
0x29: {  	s4 =	sld [smem:$0x3FB1]  }
0x2a: {  	p0 =	seq.s32 s5, $0x0;
	s5 =	sld [smem:$0x3FB2]  }
0x2b: {  	s6 =	sld [smem:$0x3FB3]  }
0x2c: {  	s7 =	sld [smem:$0x3FB4]  }
0x2d: {  	s3 =	simm.s32 $0x108;
	s8 =	sld [smem:$0x3FB5]  }
0x2e: {  	s3 =	simm.s32 @!p0 $0x1082;
	s9 =	sld [smem:$0x3FB6]  }
0x2f: {  	lr =	sadd.s32 s0, s3;
	s0 =	sld [smem:$0x3FAD]  }
0x30: {  	s3 =	sld [smem:$0x3FB0]  }
0x31: {  	[smem:$0x3FB9] =	sst s10  }
0x32: {  	s10 =	sld [smem:$0x3FB7];
	_ =	sdelay $0x3  }
0x33: {  	p0 =	seq.s32 s10, $0x1;
	s10 =	sld [smem:$0x3FB9];
	_ =	sdelay $0x3  }
0x34: {  	[smem:$0x3FB9] =	sst s10  }
0x35: {  	s10 =	sld [smem:$0x3FB8];
	_ =	sdelay $0x3  }
0x36: {  	p1 =	seq.s32 s10, $0x1;
	s10 =	sld [smem:$0x3FB9];
	_ =	sdelay $0x3  }
0x37: {  	[smem:$0x3FB9] =	sst s10  }
0x38: {  	s10 =	sld [smem:$0x3FBA]  }
0x39: {  	_ = 	snop;
	(pc) =	sbr.ind lr, $3  }
0x3a: {  	_ = 	snop  }
0x3b: {  	_ = 	snop  }
0x3c: {  	p2 =	seq.s32 s10, $0x1;
	s10 =	sld [smem:$0x3FB9]  }
0x3d: {  	_ =	shalt  }
0x3e: {  	_ =	shalt  }
0x3f: {  	_ =	shalt  }
0x40: {  	_ =	shalt  }
0x41: {  	_ =	shalt  }
0x42: {  	_ =	shalt  }
0x43: {  	_ =	shalt  }
0x44: {  	_ =	shalt  }
0x45: {  	_ =	shalt  }
0x46: {  	_ =	shalt  }
0x47: {  	_ =	shalt  }
0x48: {  	_ =	shalt  }
0x49: {  	_ =	shalt  }
0x4a: {  	_ =	shalt  }
0x4b: {  	_ =	shalt  }
0x4c: {  	_ =	shalt  }
0x4d: {  	_ =	shalt  }
0x4e: {  	_ =	shalt  }
0x4f: {  	_ =	shalt  }
0x50: {  	_ =	shalt  }
0x51: {  	_ =	shalt  }
0x52: {  	_ =	shalt  }
0x53: {  	_ =	shalt  }
0x54: {  	_ =	shalt  }
0x55: {  	_ =	shalt  }
0x56: {  	_ =	shalt  }
0x57: {  	_ =	shalt  }
0x58: {  	_ =	shalt  }
0x59: {  	_ =	shalt  }
0x5a: {  	_ =	shalt  }
0x5b: {  	_ =	shalt  }
0x5c: {  	_ =	shalt  }
0x5d: {  	_ =	shalt  }
0x5e: {  	_ =	shalt  }
0x5f: {  	_ =	shalt  }
0x60: {  	_ =	shalt  }
0x61: {  	_ =	shalt  }
0x62: {  	_ =	shalt  }
0x63: {  	_ =	shalt  }
0x64: {  	_ =	shalt  }
0x65: {  	_ =	shalt  }
0x66: {  	_ =	shalt  }
0x67: {  	_ =	shalt  }
0x68: {  	_ =	shalt  }
0x69: {  	_ =	shalt  }
0x6a: {  	_ =	shalt  }
0x6b: {  	_ =	shalt  }
0x6c: {  	_ =	shalt  }
0x6d: {  	_ =	shalt  }
0x6e: {  	_ =	shalt  }
0x6f: {  	_ =	shalt  }
0x70: {  	_ =	shalt  }
0x71: {  	_ =	shalt  }
0x72: {  	_ =	shalt  }
0x73: {  	_ =	shalt  }
0x74: {  	_ =	shalt  }
0x75: {  	_ =	shalt  }
0x76: {  	_ =	shalt  }
0x77: {  	_ =	shalt  }
0x78: {  	_ =	shalt  }
0x79: {  	_ =	shalt  }
0x7a: {  	_ =	shalt  }
0x7b: {  	_ =	shalt  }
0x7c: {  	_ =	shalt  }
0x7d: {  	_ =	shalt  }
0x7e: {  	_ =	shalt  }
0x7f: {  	_ =	shalt  }
0x80: {  	_ =	shalt  }
0x81: {  	_ =	shalt  }
0x82: {  	_ =	shalt  }
0x83: {  	_ =	shalt  }
0x84: {  	_ =	shalt  }
0x85: {  	_ =	shalt  }
0x86: {  	_ =	shalt  }
0x87: {  	_ =	shalt  }
.Lfunc_end0:
.L_simem_size_0:
called_computation_lowered:
.L_overlay_start_0:
0x88: {  	s2 =	sld [smem:$0x3FD9]  }
0x89: {  	s3 =	sld [smem:$0x3FFE];
	_ =	sdelay $0x1  }
0x8a: {  	s1 =	srdreg.scid  }
0x8b: {  	s0 =	sand.u32 $0x1, s1  }
0x8c: {  	s18 =	sshll.u32 s0, $0xA;
	s2 =	sadd.s32 s3, s2  }
0x8d: {  	s2 =	sadd.s32 s2, s18  }
0x8e: {  	[smem:$0x3FC5] =	sst s2  }
0x8f: {  	_ = 	snop  }
0x90: {  	s2 =	sld [smem:$0x3FC9]  }
0x91: {  	s19 =	sld [smem:$0x3FC8]  }
0x92: {  	s4 =	sld [smem:$0x3FC7]  }
0x93: {  	s5 =	sld [smem:$0x3FD0];
	(tm) =	ssettm $0x1  }
0x94: {  	s6 =	sld [smem:$0x3FFB];
	_ =	sdelay $0x3  }
0x95: {  	_ =	strace s6  }
0x96: {  	s6 =	sld [smem:$0x3FFC];
	_ =	sdelay $0x3  }
0x97: {  	_ =	strace s6  }
0x98: {  	s6 =	sld [smem:$0x3FFD];
	_ =	sdelay $0x3  }
0x99: {  	_ =	strace s6  }
0x9a: {  	_ =	strace $0x8FFFFFFF  }
0x9b: {  	s20 =	sld [smem:$0x3FDB];
	_ =	sdelay $0x1  }
0x9c: {  	s7 =	simm.s32 $_scs_section_size  }
0x9d: {  	s8 =	simm.s32 $_size__tile_overlayer_lowered;
	s9 =	simm.s32 $_tile_overlayer_lowered  }
0x9e: {  	s23 =	simm.s32 $0x1BFF;
	s22 =	sshll.u32 s9, $0x1;
	s6 =	sadd.s32 s7, s20  }
0x9f: {  	s10 =	simm.s32 $0x0;
	s21 =	sshll.u32 s8, $0x1;
	s8 =	sadd.s32 s22, s6  }
0xa0: {  	[timem:s10], [sflag:s23] =	dma.local [hbm:s8], s21  }
0xa1: {  	_ =	swait.ge [sflag:s23], s21  }
0xa2: {  	s7 =	ssub.s32 $0x0, s21;
	[sflag:s23] =	ssyncset.done $0x0  }
0xa3: {  	[sflag:s23] =	ssyncadd.s32 s7;
	_ =	sdelay $0x1  }
0xa4: {  	s24 =	simm.s32 $0x1B8B  }
0xa5: {  	_ =	swait.ge [sflag:s24], $0x1  }
0xa6: {  	[sflag:s24] =	ssyncset.done $0x0  }
0xa7: {  	s25 =	simm.s32 $0x1B8E;
	[sflag:s24] =	ssyncadd.s32 $0xFFFFFFFF  }
0xa8: {  	s26 =	simm.s32 $execute0_lowered;
	[smem:$0x3FD2] =	sst s25  }
0xa9: {  	s7 =	sshll.u32 s26, $0x1;
	_ =	strace $0x80000046;
	[dreg:$0x1] =	wrdreg $0xFFFFFFFF  }
0xaa: {  	s28 =	simm.s32 $_size_execute0_lowered;
	s6 =	sadd.s32 s6, s7;
	[dreg:$0x0] =	wrdreg $0x0  }
0xab: {  	s7 =	sshll.u32 s28, $0x1;
	[dreg:$0x2] =	wrdreg s6  }
0xac: {  	[dreg:$0x3] =	wrdreg s7  }
0xad: {  	[dreg:$0x4] =	wrdreg $0xC0  }
0xae: {  	_ =	task [dreg:s10], $0x5FFFF  }
0xaf: {  	[dreg:$0x1] =	wrdreg $0xFFFFFFFF  }
0xb0: {  	[dreg:$0x0] =	wrdreg $0x60  }
0xb1: {  	[dreg:$0x2] =	wrdreg s2  }
0xb2: {  	[dreg:$0x3] =	wrdreg s19  }
0xb3: {  	[dreg:$0x4] =	wrdreg s4  }
0xb4: {  	[dreg:$0x5] =	wrdreg s5  }
0xb5: {  	[dreg:$0x6] =	wrdreg $0x0  }
0xb6: {  	[dreg:$0x7] =	wrdreg $0x9  }
0xb7: {  	_ =	task.clear_ibuf [dreg:s10], $0x8FFFF;
	_ =	strace $0x90000046  }
0xb8: {  	s29 =	simm.s32 $0x9;
	_ =	strace $0x80000048  }
0xb9: {  	_ =	swait.ge [sflag:s29], $0x1  }
0xba: {  	[sflag:s29] =	ssyncadd.s32 $0xFFFFFFFF  }
0xbb: {  	_ =	strace $0x90000048  }
0xbc: {  	_ =	sfence  }
0xbd: {  	s30 =	sld [smem:$0x0];
	_ =	sdelay $0x2  }
0xbe: {  	s31 =	sshll.u32 s1, $0xD;
	s1 =	sshrl.u32 s1, $0x2  }
0xbf: {  	s3 =	sand.u32 $0x4000, s31;
	s1 =	sadd.s32 s1, s30  }
0xc0: {  	s0 =	sor.u32 s3, s0;
	s1 =	sshll.u32 s1, $0x11  }
0xc1: {  	s0 =	sor.u32 s1, s0  }
0xc2: {  	s0 =	sadd.s32 $0x8F2B, s0  }
0xc3: {  	[sflag:s0] =	ssyncadd.remote.s32 $0x1  }
0xc4: {  	_ =	sfence.sel $0xFFFF  }
0xc5: {  	[dreg:$0x0] =	wrdreg $0xFFFFFFFF;
	(pc) =	sbr.abs _section_cstart, $3  }
0xc6: {  	[dreg:$0x1] =	wrdreg $0xFFFFFFFF  }
0xc7: {  	_ =	task.clear_ibuf [dreg:s10], $0x2FFFF;
	_ =	strace $0x9FFFFFFF  }
0xc8: {  	(tm) =	ssettm $0x7FFFFFFF  }
0xc9: {  	_ =	shalt  }
tec
execute0_lowered:
.L_overlay_start_1:
0x0: {  	(tag) =	ssettag $0x1  }
0x1: {  	s6 =	rddreg [dreg:$0x0]  }
0x2: {  	s7 =	rddreg [dreg:$0x1]  }
0x3: {  	s1 =	rddreg [dreg:$0x2]  }
0x4: {  	s8 =	rddreg [dreg:$0x3]  }
0x5: {  	s3 =	rddreg [dreg:$0x4];
	s4 =	srdreg.scid  }
0x6: {  	s0 =	rddreg [dreg:$0x5];
	s2 =	stileid.u32;
	s13 =	simm.s32 $0x1678  }
0x7: {  	s14 =	simm.s32 $0x80;
	s15 =	simm.s32 $0x0;
	s5 =	sand.u32 $0x1, s4  }
0x8: {  	s4 =	simm.s32 $0x0;
	s9 =	smul.u32 $0x278, s2;
	s10 =	sshll.u32 s5, $0x4  }
0x9: {  	s11 =	ssub.s32 $0x2, s5;
	s5 =	smul.u32 $0x2780, s5;
	[smem:$0x7FF] =	sst s4  }
0xa: {  	s10 =	sor.u32 s2, s10;
	s12 =	sshrl.u32 s11, $0x1;
	_ =	strace $0x80000047  }
0xb: {  	s10 =	smul.u32 $0x280, s10;
	s11 =	ssub.s32 s11, s12;
	s30 =	sadd.s32 s9, s5  }
0xc: {  	s5 =	sadd.s32 s9, s3;
	s12 =	simm.s32 $0x278;
	s31 =	sshrl.u32 s30, $0x3  }
0xd: {  	s9 =	smax.u32 s11, $0x1;
	s11 =	simm.s32 $0x1;
	s6 =	sadd.s32 s6, s10  }
0xe: {  	s7 =	sadd.s32 s7, s10;
	s8 =	sadd.s32 s8, s31;
	s10 =	simm.s32 $0x2A78  }
.LBB2_1:
0xf: {  	[tilespmem:s10], [sflag:$0x1] =	stream.linear.gather [hbm4b:s1+s4], $0x280, $0x38;
	[tilespmem:$0x2CF8] =	vst v63  }
0x10: {  	_ =	swait.ge [sflag:s11], $0x280  }
0x11: {  	[sflag:s11] =	ssyncset.done $0x0  }
0x12: {  	[sflag:s11] =	ssyncadd.s32 $0xFFFFFD80  }
0x13: {  	[spmem:s5] =	stream.linear.scatter [tilespmem:s10], [sflag:$0x1], $0x278, $0x38;
	[tilespmem:$0x2CF8] =	vst v63  }
0x14: {  	_ =	swait.ge [sflag:s11], $0x278  }
0x15: {  	[sflag:s11] =	ssyncset.done $0x0  }
0x16: {  	[sflag:s11] =	ssyncadd.s32 $0xFFFFFD88  }
0x17: {  	[bflag:$0x0] =	sbarrier.arrive $0xFFFF  }
0x18: {  	[tilespmem:s12], [sflag:$0x1] =	stream.linear.gather [hbm4b:s6+s4], $0x1400, $0x38;
	[tilespmem:$0x2CF8] =	vst v63  }
0x19: {  	_ =	swait.ge [sflag:s11], $0x1400  }
0x1a: {  	[sflag:s11] =	ssyncset.done $0x0  }
0x1b: {  	[sflag:s11] =	ssyncadd.s32 $0xFFFFEC00  }
0x1c: {  	[tilespmem:s13], [sflag:$0x1] =	stream.linear.gather [hbm4b:s7+s4], $0x1400, $0x38;
	[tilespmem:$0x2CF8] =	vst v63  }
0x1d: {  	_ =	swait.ge [sflag:s11], $0x1400  }
0x1e: {  	[sflag:s11] =	ssyncset.done $0x0  }
0x1f: {  	s16 =	simm.s32 $0x1678;
	s17 =	simm.s32 $0x278;
	[sflag:s11] =	ssyncadd.s32 $0xFFFFEC00  }
0x20: {  	[spmem:s3] =	stream.indirect.scatter.add.f32 [tilespmem:s16], [sflag:$0x1], $0x1, s17, s14, $0xb8;
	[tilespmem:$0x2CF8] =	vst v63  }
0x21: {  	s16 =	simm.s32 $0x200;
	_ =	swait.ge [sflag:s11], $0x80  }
.LBB2_2:
0x22: {  	s17 =	sshra.s32 s16, $0x2  }
0x23: {  	[sflag:s11] =	ssyncset.done $0x0;
	p0 =	sne.s32 s16, $0x4E00;
	s18 =	sadd.s32 $0x1678, s17  }
.Ltmp0:
0x24: {  	s17 =	sadd.s32 $0x278, s17;
	[sflag:s11] =	ssyncadd.s32 $0xFFFFFF80;
	(pc) =	sbr.rel @p0 .LBB2_2-.Ltmp0, $3  }
0x25: {  	[spmem:s3] =	stream.indirect.scatter.add.f32 [tilespmem:s18], [sflag:$0x1], $0x1, s17, s14, $0xb8;
	[tilespmem:$0x2CF8] =	vst v63  }
0x26: {  	s16 =	sadd.s32 $0x200, s16;
	_ =	sdelay $0x1  }
0x27: {  	_ =	swait.ge [sflag:s11], $0x80  }
0x28: {  	[sflag:s11] =	ssyncset.done $0x0  }
0x29: {  	[sflag:s11] =	ssyncadd.s32 $0xFFFFFF80  }
0x2a: {  	[bflag:$0x0] =	sbarrier.arrive $0xFFFF  }
0x2b: {  	[tilespmem:s10], [sflag:$0x1] =	stream.linear.gather [spmem:s5], $0x278, $0x38;
	[tilespmem:$0x2CF8] =	vst v63  }
0x2c: {  	s15 =	sadd.s32 $0x1, s15;
	_ =	swait.ge [sflag:s11], $0x278  }
0x2d: {  	p0 =	sne.s32 s15, s9;
	[sflag:s11] =	ssyncset.done $0x0  }
.Ltmp1:
0x2e: {  	[sflag:s11] =	ssyncadd.s32 $0xFFFFFD88;
	(pc) =	sbr.rel @p0 .LBB2_1-.Ltmp1, $4  }
0x2f: {  	[hbm4b:s8+s4] =	stream.linear.scatter [tilespmem:s10], [sflag:$0x1], $0x278, $0x38;
	[tilespmem:$0x2CF8] =	vst v63  }
0x30: {  	_ =	swait.ge [sflag:s11], $0x278  }
0x31: {  	[sflag:s11] =	ssyncset.done $0x0  }
0x32: {  	[sflag:s11] =	ssyncadd.s32 $0xFFFFFD88  }
0x33: {  	_ =	sfence.sel $0x180000  }
0x34: {  	[bflag:$0x0] =	sbarrier.arrive $0xFFFF  }
0x35: {  	p0 =	sne.s32 s2, $0x0;
	_ =	strace $0x90000047  }
0x36: {  	s0 =	sadd.s32 @!p0 $0x100000, s0;
	[bflag:$0x2] =	sbarrier.arrive $0xFFFF  }
0x37: {  	[sflag:s0] =	ssyncadd.tile.s32 @!p0 $0x1;
	_ =	shalt  }
.Lfunc_end2:
_tile_overlayer_lowered:
.L_overlay_start_2:
0x38: {  	(tag) =	ssettag $0x2  }
0x39: {  	s0 =	rddreg [dreg:$0x0];
	s2 =	stileid.u32  }
0x3a: {  	s1 =	rddreg [dreg:$0x1];
	p0 =	sne.s32 s2, $0x0  }
0x3b: {  	s3 =	rddreg [dreg:$0x2];
	[bflag:$0x3] =	sbarrier.arrive $0xFFFF;
	s2 =	simm.s32 @!p0 $0x1C01  }
0x3c: {  	[timem:s3], [sflag:s2] =	dma.local @!p0 [hbm:s0], s1  }
0x3d: {  	s0 =	simm.s32 @!p0 $0x1  }
0x3e: {  	_ =	swait.ge @!p0 [sflag:s0], s1  }
0x3f: {  	s1 =	ssub.s32 @!p0 $0x0, s1;
	[sflag:s0] =	ssyncset.done @!p0 $0x0  }
0x40: {  	[sflag:s0] =	ssyncadd.s32 @!p0 s1  }
0x41: {  	[bflag:$0x3] =	sbarrier.arrive $0xFFFF  }
0x42: {  	_ =	shalt  }

</sc_bundles>
